<compile_context>
chip_gen: v7x
topology: tpu7x:2x2x1
jax: 0.10.2.dev20260603
libtpu: 0.0.44.dev20260713+nightly
codegen_flags: <defaults>
</compile_context>

<pallas_src>
import jax
import jax.numpy as jnp
from jax import lax
from jax.experimental import pallas as pl
from jax.experimental.pallas import tpu as pltpu

_H = 8


def _push_kernel(xv_ref, s_ref, o_ref):
    s = s_ref[...]
    rolled = pltpu.roll(s, 1, axis=2)
    a1 = jnp.repeat(xv_ref[...], 8, axis=1)
    s_i = lax.broadcasted_iota(jnp.int32, s.shape, 1)
    l_i = lax.broadcasted_iota(jnp.int32, s.shape, 2)
    idx = 16 * (s_i % 8) + l_i // _H
    xr = jnp.take_along_axis(a1, idx, axis=2)
    o_ref[...] = jnp.where(l_i % _H == 0, xr, rolled)


def kernel(x, state):
    B, N, H = state.shape
    R = N * H // 128
    sv = state.reshape(B, R, 128)
    xv = x.reshape(B, N // 128, 128)
    bb, sb = 16, 512
    grid = (B // bb, R // sb)
    out = pl.pallas_call(
        _push_kernel,
        grid=grid,
        in_specs=[
            pl.BlockSpec((bb, sb // 8, 128), lambda i, j: (i, j, 0)),
            pl.BlockSpec((bb, sb, 128), lambda i, j: (i, j, 0)),
        ],
        out_specs=pl.BlockSpec((bb, sb, 128), lambda i, j: (i, j, 0)),
        out_shape=jax.ShapeDtypeStruct((B, R, 128), state.dtype),
        compiler_params=pltpu.CompilerParams(
            dimension_semantics=("parallel", "parallel"),
        ),
    )(xv, sv)
    return out.reshape(B, N, H)

# --- scband reference (transcript-rebuilt; emitter-appended) ---
"""Pipeline reference for scband-activation-history-buffer-15573551415321 (READ-ONLY COPY).

The authoritative reference and input builder live on the scoring server;
editing this copy changes nothing except your own understanding.
"""

import jax, jax.numpy as jnp
import numpy as np

BATCH = 512
NUM_NEURONS = 8192
HISTORY_LEN = 8


def setup_inputs(seed: int = 0) -> dict:
    key = jax.random.key(seed)
    k1, k2 = jax.random.split(key)
    x = jax.random.normal(k1, (BATCH, NUM_NEURONS), dtype=jnp.float32)
    # Existing FIFO state buffer (batch, neurons, history_len). In the torch
    # module this is an internal buffer; we materialize it as an input so the
    # push() semantics on a populated buffer are exercised.
    state = jax.random.normal(k2, (BATCH, NUM_NEURONS, HISTORY_LEN), dtype=jnp.float32)
    return {"x": x, "state": state}


def reference(x, state):
    # ActivationHistoryBuffer.push: shift history right by 1 along the history
    # axis (torch.roll with wraparound), then overwrite slot 0 with the new
    # activations (scatter-overwrite on the leading history slot).
    new_state = jnp.roll(state, shift=1, axis=2)
    new_state = new_state.at[:, :, 0].set(x)
    return new_state

if __name__ == "__main__":
    import jax
    _d = setup_inputs()
    print(jax.jit(kernel)(*tuple(_d.values())))

</pallas_src>

<mosaic_0001>
module attributes {stable_mosaic.version = 14 : i64} {
  func.func @_push_kernel(%arg0: i32, %arg1: i32, %arg2: memref<16x64x128xf32, #tpu.memory_space<vmem>>, %arg3: memref<16x512x128xf32, #tpu.memory_space<vmem>>, %arg4: memref<16x512x128xf32, #tpu.memory_space<vmem>>) attributes {dimension_semantics = [#tpu.dimension_semantics<parallel>, #tpu.dimension_semantics<parallel>], iteration_bounds = array<i64: 32, 1>, scalar_prefetch = 0 : i64, scratch_operands = 0 : i64, tpu.core_type = #tpu.core_type<tc>, window_params = [{transform_indices = @transform_0, window_bounds = array<i64: 16, 64, 128>}, {transform_indices = @transform_1, window_bounds = array<i64: 16, 512, 128>}, {transform_indices = @transform_2, window_bounds = array<i64: 16, 512, 128>}]} {
    %get3A = arith.constant 0 : index
    %get3A_0 = arith.constant 0 : index
    %get3A_1 = arith.constant 0 : index
    %get3A_2 = vector.load %arg3[%get3A, %get3A_0, %get3A_1] : memref<16x512x128xf32, #tpu.memory_space<vmem>>, vector<16x512x128xf32>
    %roll3A = arith.constant 1 : i32
    %roll3A_3 = tpu.dynamic_rotate %get3A_2 by %roll3A dim 2 : vector<16x512x128xf32>, i32 -> vector<16x512x128xf32>
    %get3A_4 = arith.constant 0 : index
    %get3A_5 = arith.constant 0 : index
    %get3A_6 = arith.constant 0 : index
    %get3A_7 = vector.load %arg2[%get3A_4, %get3A_5, %get3A_6] : memref<16x64x128xf32, #tpu.memory_space<vmem>>, vector<16x64x128xf32>
    %broadcast_in_dim3A = vector.shape_cast %get3A_7 : vector<16x64x128xf32> to vector<16x64x1x128xf32>
    %broadcast_in_dim3A_8 = vector.broadcast %broadcast_in_dim3A : vector<16x64x1x128xf32> to vector<16x64x8x128xf32>
    %reshape3A = vector.shape_cast %broadcast_in_dim3A_8 : vector<16x64x8x128xf32> to vector<16x512x128xf32>
    %iota3A = tpu.iota {dimensions = array<i32: 1>} : vector<16x512x128xi32>
    %iota3A_9 = tpu.iota {dimensions = array<i32: 2>} : vector<16x512x128xi32>
    %jit3A = arith.constant 8 : i32
    %eq3A = arith.constant 0 : i32
    %eq3A_10 = arith.cmpi eq, %jit3A, %eq3A : i32
    %jit3A_11 = arith.constant 1 : i32
    %select_n3A = arith.select %eq3A_10, %jit3A_11, %jit3A : i32
    %rem3A = vector.broadcast %select_n3A : i32 to vector<16x512x128xi32>
    %rem3A_12 = arith.remsi %iota3A, %rem3A : vector<16x512x128xi32>
    %ne3A = arith.constant 0 : i32
    %ne3A_13 = vector.broadcast %ne3A : i32 to vector<16x512x128xi32>
    %ne3A_14 = arith.cmpi ne, %rem3A_12, %ne3A_13 : vector<16x512x128xi32>
    %lt3A = arith.constant 0 : i32
    %lt3A_15 = vector.broadcast %lt3A : i32 to vector<16x512x128xi32>
    %lt3A_16 = arith.cmpi slt, %rem3A_12, %lt3A_15 : vector<16x512x128xi32>
    %lt3A_17 = arith.constant 0 : i32
    %lt3A_18 = arith.cmpi slt, %select_n3A, %lt3A_17 : i32
    %ne3A_19 = vector.broadcast %lt3A_18 : i1 to vector<16x512x128xi1>
    %ne3A_20 = vector.broadcast %ne3A_19 : vector<16x512x128xi1> to vector<16x512x128xi1>
    %ne3A_21 = arith.xori %lt3A_16, %ne3A_20 : vector<16x512x128xi1>
    %and3A = arith.andi %ne3A_21, %ne3A_14 : vector<16x512x128xi1>
    %add3A = vector.broadcast %select_n3A : i32 to vector<16x512x128xi32>
    %add3A_22 = arith.addi %rem3A_12, %add3A : vector<16x512x128xi32>
    %select_n3A_23 = arith.select %and3A, %add3A_22, %rem3A_12 : vector<16x512x128xi1>, vector<16x512x128xi32>
    %mul3A = arith.constant 16 : i32
    %mul3A_24 = vector.broadcast %mul3A : i32 to vector<16x512x128xi32>
    %mul3A_25 = arith.muli %mul3A_24, %select_n3A_23 : vector<16x512x128xi32>
    %jit3A_26 = arith.constant 8 : i32
    %div3A = vector.broadcast %jit3A_26 : i32 to vector<16x512x128xi32>
    %div3A_27 = arith.divsi %iota3A_9, %div3A : vector<16x512x128xi32>
    %sign3A = arith.constant 0 : i32
    %sign3A_28 = vector.broadcast %sign3A : i32 to vector<16x512x128xi32>
    %sign3A_29 = arith.cmpi sgt, %iota3A_9, %sign3A_28 : vector<16x512x128xi32>
    %sign3A_30 = arith.extui %sign3A_29 : vector<16x512x128xi1> to vector<16x512x128xi32>
    %sign3A_31 = arith.constant 0 : i32
    %sign3A_32 = vector.broadcast %sign3A_31 : i32 to vector<16x512x128xi32>
    %sign3A_33 = arith.cmpi slt, %iota3A_9, %sign3A_32 : vector<16x512x128xi32>
    %sign3A_34 = arith.extui %sign3A_33 : vector<16x512x128xi1> to vector<16x512x128xi32>
    %sign3A_35 = arith.subi %sign3A_30, %sign3A_34 : vector<16x512x128xi32>
    %sign3A_36 = arith.constant 0 : i32
    %sign3A_37 = arith.cmpi sgt, %jit3A_26, %sign3A_36 : i32
    %sign3A_38 = arith.extui %sign3A_37 : i1 to i32
    %sign3A_39 = arith.constant 0 : i32
    %sign3A_40 = arith.cmpi slt, %jit3A_26, %sign3A_39 : i32
    %sign3A_41 = arith.extui %sign3A_40 : i1 to i32
    %sign3A_42 = arith.subi %sign3A_38, %sign3A_41 : i32
    %ne3A_43 = vector.broadcast %sign3A_42 : i32 to vector<16x512x128xi32>
    %ne3A_44 = arith.cmpi ne, %sign3A_35, %ne3A_43 : vector<16x512x128xi32>
    %rem3A_45 = vector.broadcast %jit3A_26 : i32 to vector<16x512x128xi32>
    %rem3A_46 = arith.remsi %iota3A_9, %rem3A_45 : vector<16x512x128xi32>
    %ne3A_47 = arith.constant 0 : i32
    %ne3A_48 = vector.broadcast %ne3A_47 : i32 to vector<16x512x128xi32>
    %ne3A_49 = arith.cmpi ne, %rem3A_46, %ne3A_48 : vector<16x512x128xi32>
    %and3A_50 = arith.andi %ne3A_44, %ne3A_49 : vector<16x512x128xi1>
    %sub3A = arith.constant 1 : i32
    %sub3A_51 = vector.broadcast %sub3A : i32 to vector<16x512x128xi32>
    %sub3A_52 = arith.subi %div3A_27, %sub3A_51 : vector<16x512x128xi32>
    %select_n3A_53 = arith.select %and3A_50, %sub3A_52, %div3A_27 : vector<16x512x128xi1>, vector<16x512x128xi32>
    %add3A_54 = arith.addi %mul3A_25, %select_n3A_53 : vector<16x512x128xi32>
    %lt3A_55 = arith.constant 0 : i32
    %lt3A_56 = vector.broadcast %lt3A_55 : i32 to vector<16x512x128xi32>
    %lt3A_57 = arith.cmpi slt, %add3A_54, %lt3A_56 : vector<16x512x128xi32>
    %add3A_58 = arith.constant 128 : i32
    %add3A_59 = vector.broadcast %add3A_58 : i32 to vector<16x512x128xi32>
    %add3A_60 = arith.addi %add3A_54, %add3A_59 : vector<16x512x128xi32>
    %select_n3A_61 = arith.select %lt3A_57, %add3A_60, %add3A_54 : vector<16x512x128xi1>, vector<16x512x128xi32>
    %reshape3A_62 = vector.shape_cast %select_n3A_61 : vector<16x512x128xi32> to vector<16x512x128x1xi32>
    %gather3A = vector.shape_cast %reshape3A_62 : vector<16x512x128x1xi32> to vector<16x512x128xi32>
    %gather3A_63 = tpu.dynamic_gather %reshape3A[%gather3A] in [2] : vector<16x512x128xf32>, vector<16x512x128xi32> -> vector<16x512x128xf32>
    %jit3A_64 = arith.constant 8 : i32
    %eq3A_65 = arith.constant 0 : i32
    %eq3A_66 = arith.cmpi eq, %jit3A_64, %eq3A_65 : i32
    %jit3A_67 = arith.constant 1 : i32
    %select_n3A_68 = arith.select %eq3A_66, %jit3A_67, %jit3A_64 : i32
    %rem3A_69 = vector.broadcast %select_n3A_68 : i32 to vector<16x512x128xi32>
    %rem3A_70 = arith.remsi %iota3A_9, %rem3A_69 : vector<16x512x128xi32>
    %ne3A_71 = arith.constant 0 : i32
    %ne3A_72 = vector.broadcast %ne3A_71 : i32 to vector<16x512x128xi32>
    %ne3A_73 = arith.cmpi ne, %rem3A_70, %ne3A_72 : vector<16x512x128xi32>
    %lt3A_74 = arith.constant 0 : i32
    %lt3A_75 = vector.broadcast %lt3A_74 : i32 to vector<16x512x128xi32>
    %lt3A_76 = arith.cmpi slt, %rem3A_70, %lt3A_75 : vector<16x512x128xi32>
    %lt3A_77 = arith.constant 0 : i32
    %lt3A_78 = arith.cmpi slt, %select_n3A_68, %lt3A_77 : i32
    %ne3A_79 = vector.broadcast %lt3A_78 : i1 to vector<16x512x128xi1>
    %ne3A_80 = vector.broadcast %ne3A_79 : vector<16x512x128xi1> to vector<16x512x128xi1>
    %ne3A_81 = arith.xori %lt3A_76, %ne3A_80 : vector<16x512x128xi1>
    %and3A_82 = arith.andi %ne3A_81, %ne3A_73 : vector<16x512x128xi1>
    %add3A_83 = vector.broadcast %select_n3A_68 : i32 to vector<16x512x128xi32>
    %add3A_84 = arith.addi %rem3A_70, %add3A_83 : vector<16x512x128xi32>
    %select_n3A_85 = arith.select %and3A_82, %add3A_84, %rem3A_70 : vector<16x512x128xi1>, vector<16x512x128xi32>
    %eq3A_86 = arith.constant 0 : i32
    %eq3A_87 = vector.broadcast %eq3A_86 : i32 to vector<16x512x128xi32>
    %eq3A_88 = arith.cmpi eq, %select_n3A_85, %eq3A_87 : vector<16x512x128xi32>
    %select_n3A_89 = arith.select %eq3A_88, %gather3A_63, %roll3A_3 : vector<16x512x128xi1>, vector<16x512x128xf32>
    %swap3A = arith.constant 0 : index
    %swap3A_90 = arith.constant 0 : index
    %swap3A_91 = arith.constant 0 : index
    %swap3A_92 = vector.load %arg4[%swap3A, %swap3A_90, %swap3A_91] : memref<16x512x128xf32, #tpu.memory_space<vmem>>, vector<16x512x128xf32>
    tpu.vector_store %arg4[%swap3A, %swap3A_90, %swap3A_91], %select_n3A_89 {strides = array<i32>} : memref<16x512x128xf32, #tpu.memory_space<vmem>>, vector<16x512x128xf32>,
    return
  }
  func.func @transform_0(%arg0: i32, %arg1: i32) -> (i32, i32, i32) {
    %c0_i32 = arith.constant 0 : i32
    %c0_i32_0 = arith.constant 0 : i32
    return %arg0, %arg1, %c0_i32 : i32, i32, i32
  }
  func.func @transform_1(%arg0: i32, %arg1: i32) -> (i32, i32, i32) {
    %c0_i32 = arith.constant 0 : i32
    %c0_i32_0 = arith.constant 0 : i32
    return %arg0, %arg1, %c0_i32 : i32, i32, i32
  }
  func.func @transform_2(%arg0: i32, %arg1: i32) -> (i32, i32, i32) {
    %c0_i32 = arith.constant 0 : i32
    %c0_i32_0 = arith.constant 0 : i32
    return %arg0, %arg1, %c0_i32 : i32, i32, i32
  }
}

</mosaic_0001>

<sc_bundles>
// kernel: sparse-core-data-format-call.cloned.1.call-start
scs
called_computation_lowered:
.L_overlay_start_0:
0x0: {  	s2 =	sld [smem:$0x3FD9]  }
0x1: {  	s3 =	sld [smem:$0x3FFE];
	_ =	sdelay $0x1  }
0x2: {  	s1 =	srdreg.scid  }
0x3: {  	s0 =	sand.u32 $0x1, s1  }
0x4: {  	s18 =	sshll.u32 s0, $0xA;
	s2 =	sadd.s32 s3, s2  }
0x5: {  	s2 =	sadd.s32 s2, s18  }
0x6: {  	[smem:$0x3FC6] =	sst s2  }
0x7: {  	_ = 	snop  }
0x8: {  	s2 =	sld [smem:$0x3FD0];
	(tm) =	ssettm $0x1  }
0x9: {  	s19 =	sld [smem:$0x3FFB];
	_ =	sdelay $0x3  }
0xa: {  	_ =	strace s19  }
0xb: {  	s3 =	sld [smem:$0x3FFC];
	_ =	sdelay $0x3  }
0xc: {  	_ =	strace s3  }
0xd: {  	s3 =	sld [smem:$0x3FFD];
	_ =	sdelay $0x3  }
0xe: {  	_ =	strace s3  }
0xf: {  	_ =	strace $0x8FFFFFFF  }
0x10: {  	s20 =	sld [smem:$0x3FDB];
	_ =	sdelay $0x1  }
0x11: {  	s4 =	simm.s32 $_scs_section_size  }
0x12: {  	s5 =	simm.s32 $_size__tile_overlayer_lowered;
	s6 =	simm.s32 $_tile_overlayer_lowered  }
0x13: {  	s23 =	simm.s32 $0x1BFF;
	s22 =	sshll.u32 s6, $0x1;
	s3 =	sadd.s32 s4, s20  }
0x14: {  	s7 =	simm.s32 $0x0;
	s21 =	sshll.u32 s5, $0x1;
	s5 =	sadd.s32 s22, s3  }
0x15: {  	[timem:s7], [sflag:s23] =	dma.local [hbm:s5], s21  }
0x16: {  	_ =	swait.ge [sflag:s23], s21  }
0x17: {  	s4 =	ssub.s32 $0x0, s21;
	[sflag:s23] =	ssyncset.done $0x0  }
0x18: {  	[sflag:s23] =	ssyncadd.s32 s4;
	_ =	sdelay $0x1  }
0x19: {  	s24 =	simm.s32 $0x1B8B  }
0x1a: {  	_ =	swait.ge [sflag:s24], $0x1  }
0x1b: {  	[sflag:s24] =	ssyncset.done $0x0  }
0x1c: {  	s26 =	simm.s32 $0x1B8E;
	s25 =	sld [smem:$0x3FFE];
	[sflag:s24] =	ssyncadd.s32 $0xFFFFFFFF  }
0x1d: {  	s27 =	simm.s32 $execute0_lowered;
	[smem:$0x3FD2] =	sst s26  }
0x1e: {  	s5 =	sshll.u32 s27, $0x1;
	_ =	strace $0x80000046;
	[dreg:$0x1] =	wrdreg $0xFFFFFFFF  }
0x1f: {  	s28 =	simm.s32 $_size_execute0_lowered;
	s3 =	sadd.s32 s3, s5;
	[dreg:$0x0] =	wrdreg $0x0  }
0x20: {  	s5 =	sshll.u32 s28, $0x1;
	[dreg:$0x2] =	wrdreg s3  }
0x21: {  	[dreg:$0x3] =	wrdreg s5  }
0x22: {  	[dreg:$0x4] =	wrdreg $0xC0  }
0x23: {  	_ =	task [dreg:s7], $0x5FFFF  }
0x24: {  	[dreg:$0x1] =	wrdreg $0xFFFFFFFF  }
0x25: {  	[dreg:$0x0] =	wrdreg $0x60  }
0x26: {  	[dreg:$0x2] =	wrdreg s25  }
0x27: {  	[dreg:$0x3] =	wrdreg s2  }
0x28: {  	[dreg:$0x4] =	wrdreg $0x9  }
0x29: {  	_ =	task.clear_ibuf [dreg:s7], $0x5FFFF;
	_ =	strace $0x90000046  }
0x2a: {  	s29 =	simm.s32 $0x9;
	_ =	strace $0x80000048  }
0x2b: {  	_ =	swait.ge [sflag:s29], $0x1  }
0x2c: {  	[sflag:s29] =	ssyncadd.s32 $0xFFFFFFFF  }
0x2d: {  	_ =	strace $0x90000048  }
0x2e: {  	_ =	sfence  }
0x2f: {  	s30 =	sld [smem:$0x0];
	_ =	sdelay $0x2  }
0x30: {  	s31 =	sshll.u32 s1, $0xD;
	s1 =	sshrl.u32 s1, $0x2  }
0x31: {  	s3 =	sand.u32 $0x4000, s31;
	s1 =	sadd.s32 s1, s30  }
0x32: {  	s0 =	sor.u32 s3, s0;
	s1 =	sshll.u32 s1, $0x11  }
0x33: {  	s0 =	sor.u32 s1, s0  }
0x34: {  	s0 =	sadd.s32 $0x8F2B, s0  }
0x35: {  	[sflag:s0] =	ssyncadd.remote.s32 $0x1  }
0x36: {  	_ =	sfence.sel $0xFFFF  }
0x37: {  	[dreg:$0x0] =	wrdreg $0xFFFFFFFF;
	(pc) =	sbr.abs _section_cstart, $3  }
0x38: {  	[dreg:$0x1] =	wrdreg $0xFFFFFFFF  }
0x39: {  	_ =	task.clear_ibuf [dreg:s7], $0x2FFFF;
	_ =	strace $0x9FFFFFFF  }
0x3a: {  	(tm) =	ssettm $0x7FFFFFFF  }
0x3b: {  	_ =	shalt  }
tec
execute0_lowered:
.L_overlay_start_1:
0x0: {  	(tag) =	ssettag $0x1  }
0x1: {  	s0 =	srdreg.scid;
	s5 =	rddreg [dreg:$0x0]  }
0x2: {  	s3 =	rddreg [dreg:$0x1];
	s1 =	sshll.u32 s0, $0x4  }
0x3: {  	s7 =	simm.s32 $0x1;
	s0 =	stileid.u32;
	s1 =	sand.u32 $0x10, s1  }
0x4: {  	s8 =	simm.s32 $0x2;
	s13 =	simm.s32 $0x0;
	s1 =	sor.u32 s0, s1  }
0x5: {  	s15 =	simm.s32 $0x0;
	s14 =	simm.s32 $0x0;
	s2 =	sshll.u32 s1, $0x7  }
0x6: {  	s9 =	simm.s32 $0x0;
	s10 =	simm.s32 $0x0;
	s6 =	ssub.s32 $0x2000, s2  }
0x7: {  	s12 =	simm.s32 $0x0;
	s5 =	sadd.s32 $0x600, s5;
	s4 =	sand.u32 $0xF80, s6  }
.Ltmp0:
0x8: {  	s1 =	rddreg [dreg:$0x2];
	p0 =	sne.s32 s4, $0x0;
	(pc) =	sbr.rel .LBB1_1-.Ltmp0, $4  }
0x9: {  	_ =	strace $0x80000047;
	s6 =	sshrl.u32 s6, $0xC;
	s7 =	simm.s32 @!p0 $0x0  }
0xa: {  	s11 =	smov.u32 s2;
	s4 =	simm.s32 $0x1;
	s6 =	sadd.s32 s7, s6  }
0xb: {  	[sflag:s4] =	ssyncpa.u1 $0x0;
	p0 =	por $0x0, $0x0;
	s6 =	sshll.u32 s6, $0x5  }
0xc: {  	[sflag:s8] =	ssyncpa.u1 $0x0;
	s8 =	simm.s32 $0x10000;
	s7 =	sor.u32 $0x1, s6  }
.LBB1_4:
0xd: {  	v5 =	vld [tilespmem:s19+$0xFFFFFFD0];
	[tilespmem:s18+$0x2040 ss:$0x81] =	vst.msk $0xffff, v1  }
0xe: {  	v58 =	vld [tilespmem:s19+$0xFFFFFFE0];
	[tilespmem:s18+$0x2850 ss:$0x81] =	vst.msk $0xffff, v2  }
0xf: {  	s20 =	sshra.s32 s20, $0x2;
	v59 =	vld [tilespmem:s19+$0xFFFFFFF0];
	[tilespmem:s18+$0x3060 ss:$0x81] =	vst.msk $0xffff, v3  }
0x10: {  	v60 =	vld [tilespmem:s19+$0x0];
	[tilespmem:s18+$0x0 ss:$0x81] =	vst.msk $0xffff, v0;
	s17 =	sadd.s32 s20, s17  }
0x11: {  	v61 =	vld [tilespmem:s19+$0x10];
	[tilespmem:s17+$0x3870 ss:$0x81] =	vst.msk $0xffff, v4  }
0x12: {  	v62 =	vld [tilespmem:s19+$0x20];
	[tilespmem:s17+$0x810 ss:$0x81] =	vst.msk $0xffff, v5  }
0x13: {  	s28 =	sshll.u32 s14, $0x3;
	v63 =	vld [tilespmem:s19+$0xFFFFFFC0];
	s29 =	sand.u32 $0x78, s14;
	[tilespmem:s17+$0x1020 ss:$0x81] =	vst.msk $0xffff, v58  }
0x14: {  	s15 =	sshll.u32 s15, $0x7;
	s30 =	sand.u32 $0x1C00, s14;
	s18 =	sand.u32 $0x1C00, s28;
	[tilespmem:s17+$0x1830 ss:$0x81] =	vst.msk $0xffff, v59  }
0x15: {  	s13 =	sshll.u32 s13, $0xD;
	s15 =	sand.u32 $0x380, s15;
	s18 =	sor.u32 s29, s18;
	[tilespmem:s17+$0x2040 ss:$0x81] =	vst.msk $0xffff, v60  }
0x16: {  	s31 =	sand.u32 $0x7, s14;
	s15 =	sor.u32 s15, s18;
	s18 =	sadd.s32 s3, s30;
	[tilespmem:s17+$0x2850 ss:$0x81] =	vst.msk $0xffff, v61  }
0x17: {  	s14 =	sshll.u32 s31, $0x12;
	s15 =	sshrl.u32 s15, $0x3;
	s13 =	sadd.s32 s13, s18;
	[tilespmem:s17+$0x3060 ss:$0x81] =	vst.msk $0xffff, v62  }
0x18: {  	s14 =	sor.u32 $0x80, s14;
	[tilespmem:s17+$0x0 ss:$0x81] =	vst.msk $0xffff, v63;
	s13 =	sadd.s32 s15, s13  }
0x19: {  	[hbm4b:s13+s14] =	stream.strided.scatter [tilespmem:s16], [sflag:$0x2], $0x4000, s8, s14, $0x20;
	[tilespmem:$0x10100] =	vst v63  }
.LBB1_5:
0x1a: {  	s16 =	sadd.s32 $0x80, s9  }
0x1b: {  	s13 =	simm.s32 $0x1;
	p2 =	sgt.s32 s16, $0x1FF  }
0x1c: {  	s13 =	simm.s32 @!p2 $0x0  }
0x1d: {  	s17 =	sadd.s32 s13, s10  }
0x1e: {  	s19 =	smov.u32 s11;
	s13 =	sadd.s32 $0x1000, s11;
	p3 =	sgt.s32 s17, $0x7  }
0x1f: {  	s19 =	smov.u32 @p3 s13  }
0x20: {  	p1 =	slt.u32 s12, $0x2;
	s16 =	simm.s32 @p2 $0x0;
	p2 =	sgt.s32 s19, $0x1FFF  }
0x21: {  	s18 =	simm.s32 @!p1 $0x2;
	s19 =	smov.u32 @p2 s2;
	p2 =	sne.s32 s12, s7  }
.Ltmp1:
0x22: {  	_ =	swait.ge @!p1 [sflag:s18], $0x4000;
	(pc) =	sbr.rel @!p2 .LBB1_6-.Ltmp1, $4  }
0x23: {  	s15 =	smov.u32 s10;
	[sflag:s18] =	ssyncset.done @!p1 $0x0  }
0x24: {  	s14 =	smov.u32 s11;
	p0 =	por !p0, !p0;
	[sflag:s18] =	ssyncadd.s32 @!p1 $0xFFFFC000  }
0x25: {  	s17 =	simm.s32 @p3 $0x0;
	s13 =	smov.u32 s9;
	s9 =	smov.u32 s16  }
0x26: {  	s10 =	smov.u32 s17;
	s12 =	sadd.s32 $0x1, s12;
	s11 =	smov.u32 s19  }
.LBB1_1:
0x27: {  	p1 =	sge.u32 s12, s6;
	s31 =	sadd.s32 $0xFFFFFFFF, s12  }
0x28: {  	s16 =	sxor.u32 @!p1 $0xFFFFFFFF, s12;
	s17 =	sshll.u32 @!p1 s10, $0x7;
	s18 =	sand.u32 @!p1 $0x78, s9  }
0x29: {  	s19 =	sshll.u32 @!p1 s9, $0x3;
	s16 =	sshll.u32 @!p1 s16, $0xE;
	s17 =	sand.u32 @!p1 $0x380, s17  }
0x2a: {  	s19 =	sand.u32 @!p1 $0xC00, s19;
	s16 =	sand.u32 @!p1 $0x4000, s16;
	s17 =	sor.u32 @!p1 s18, s17  }
0x2b: {  	s18 =	sshll.u32 @!p1 s11, $0x9;
	s17 =	sor.u32 @!p1 s19, s17;
	s19 =	sand.u32 @!p1 $0x7, s9  }
0x2c: {  	s18 =	sadd.s32 @!p1 s5, s18;
	s17 =	sshrl.u32 @!p1 s17, $0x3;
	s19 =	sshll.u32 @!p1 s19, $0x12  }
0x2d: {  	s17 =	sadd.s32 @!p1 s17, s18;
	s18 =	sor.u32 @!p1 $0x80, s19;
	s19 =	simm.s32 @!p1 $0x1000  }
0x2e: {  	[tilespmem:s16], [sflag:$0x1] =	stream.strided.gather @!p1 [hbm4b:s17+s18], $0x4000, s19, s18, $0x38;
	[tilespmem:$0x10100] =	vst v63  }
0x2f: {  	p1 =	sge.u32 s31, s6  }
.Ltmp2:
0x30: {  	_ = 	snop;
	(pc) =	sbr.rel @p1 .LBB1_5-.Ltmp2, $1  }
0x31: {  	_ =	sdelay $0x3  }
0x32: {  	s16 =	simm.s32 $0x1  }
0x33: {  	_ =	swait.ge [sflag:s4], $0x4000;
	s16 =	simm.s32 @!p0 $0x0  }
0x34: {  	[sflag:s4] =	ssyncset.done $0x0;
	s17 =	sshll.u32 s16, $0xE  }
0x35: {  	[sflag:s4] =	ssyncadd.s32 $0xFFFFC000;
	s19 =	sor.u32 $0x40, s17  }
0x36: {  	s16 =	smul.u32 $0x10200, s16;
	v0 =	vld [tilespmem:s19+$0x30]  }
0x37: {  	v3 =	vld [tilespmem:s19+$0xFFFFFFD0]  }
0x38: {  	s16 =	sshrl.u32 s16, $0x2;
	v4 =	vld [tilespmem:s19+$0xFFFFFFE0]  }
0x39: {  	v5 =	vld [tilespmem:s19+$0xFFFFFFF0];
	s17 =	sor.u32 $0x8000, s16  }
0x3a: {  	s31 =	sand.u32 $0x1, s12;
	v1 =	vld [tilespmem:s19+$0x0];
	s18 =	sadd.s32 $0x0, s17  }
0x3b: {  	v2 =	vld [tilespmem:s19+$0x10];
	s16 =	smul.u32 $0x10200, s31;
	[tilespmem:s18+$0x3870 ss:$0x81] =	vst.msk $0xffff, v0  }
0x3c: {  	[tilespmem:s18+$0x810 ss:$0x81] =	vst.msk $0xffff, v3;
	v3 =	vld [tilespmem:s19+$0x20]  }
0x3d: {  	s16 =	sshrl.u32 s16, $0x2;
	v0 =	vld [tilespmem:s19+$0xFFFFFFC0];
	[tilespmem:s18+$0x1020 ss:$0x81] =	vst.msk $0xffff, v4;
	s19 =	sadd.s32 $0x80, s19  }
0x3e: {  	s20 =	simm.s32 $0x4;
	s21 =	simm.s32 $0x8;
	s16 =	sor.u32 $0x8000, s16;
	[tilespmem:s18+$0x1830 ss:$0x81] =	vst.msk $0xffff, v5;
	v4 =	vld [tilespmem:s19+$0x30]  }
.LBB1_3:
0x3f: {  	p1 =	sne.s32 s21, $0x1FC;
	v5 =	vld [tilespmem:s19+$0xFFFFFFD0];
	[tilespmem:s18+$0x2040 ss:$0x81] =	vst.msk $0xffff, v1  }
0x40: {  	v6 =	vld [tilespmem:s19+$0xFFFFFFE0];
	[tilespmem:s18+$0x2850 ss:$0x81] =	vst.msk $0xffff, v2  }
0x41: {  	s22 =	sshra.s32 s20, $0x2;
	s20 =	smov.u32 s21;
	v7 =	vld [tilespmem:s19+$0xFFFFFFF0];
	[tilespmem:s18+$0x3060 ss:$0x81] =	vst.msk $0xffff, v3  }
.Ltmp3:
0x42: {  	v1 =	vld [tilespmem:s19+$0x0];
	[tilespmem:s18+$0x0 ss:$0x81] =	vst.msk $0xffff, v0;
	s18 =	sadd.s32 s22, s17;
	(pc) =	sbr.rel @p1 .LBB1_3-.Ltmp3, $4  }
0x43: {  	v2 =	vld [tilespmem:s19+$0x10];
	[tilespmem:s18+$0x3870 ss:$0x81] =	vst.msk $0xffff, v4  }
0x44: {  	[tilespmem:s18+$0x810 ss:$0x81] =	vst.msk $0xffff, v5;
	v3 =	vld [tilespmem:s19+$0x20]  }
0x45: {  	v0 =	vld [tilespmem:s19+$0xFFFFFFC0];
	[tilespmem:s18+$0x1020 ss:$0x81] =	vst.msk $0xffff, v6;
	s19 =	sadd.s32 $0x80, s19  }
0x46: {  	s21 =	sadd.s32 $0x4, s21;
	v4 =	vld [tilespmem:s19+$0x30];
	[tilespmem:s18+$0x1830 ss:$0x81] =	vst.msk $0xffff, v7  }
.Ltmp4:
0x47: {  	_ = 	snop;
	(pc) =	sbr.rel .LBB1_4-.Ltmp4, $1  }
0x48: {  	_ =	sdelay $0x3  }
.LBB1_6:
0x49: {  	_ =	sfence.sel $0x180000  }
0x4a: {  	s2 =	simm.s32 $0x1;
	[bflag:$0x0] =	sbarrier.arrive $0xFFFF  }
0x4b: {  	s31 =	simm.s32 $0x2;
	[sflag:s2] =	ssyncpa.u1 $0x1  }
0x4c: {  	[sflag:s31] =	ssyncpa.u1 $0x1  }
0x4d: {  	p0 =	sne.s32 s0, $0x0;
	_ =	strace $0x90000047  }
0x4e: {  	s0 =	sadd.s32 @!p0 $0x100000, s1;
	[bflag:$0x2] =	sbarrier.arrive $0xFFFF  }
0x4f: {  	[sflag:s0] =	ssyncadd.tile.s32 @!p0 $0x1;
	_ =	shalt  }
.Lfunc_end1:
_tile_overlayer_lowered:
.L_overlay_start_2:
0x50: {  	(tag) =	ssettag $0x2  }
0x51: {  	s0 =	rddreg [dreg:$0x0];
	s2 =	stileid.u32  }
0x52: {  	s1 =	rddreg [dreg:$0x1];
	p0 =	sne.s32 s2, $0x0  }
0x53: {  	s3 =	rddreg [dreg:$0x2];
	[bflag:$0x3] =	sbarrier.arrive $0xFFFF;
	s2 =	simm.s32 @!p0 $0x1C01  }
0x54: {  	[timem:s3], [sflag:s2] =	dma.local @!p0 [hbm:s0], s1  }
0x55: {  	s0 =	simm.s32 @!p0 $0x1  }
0x56: {  	_ =	swait.ge @!p0 [sflag:s0], s1  }
0x57: {  	s1 =	ssub.s32 @!p0 $0x0, s1;
	[sflag:s0] =	ssyncset.done @!p0 $0x0  }
0x58: {  	[sflag:s0] =	ssyncadd.s32 @!p0 s1  }
0x59: {  	[bflag:$0x3] =	sbarrier.arrive $0xFFFF  }
0x5a: {  	_ =	shalt  }

</sc_bundles>
